<compile_context>
chip_gen: v7x
topology: tpu7x:2x2x1
jax: 0.10.2.dev20260603
libtpu: 0.0.44.dev20260713+nightly
codegen_flags: <defaults>
</compile_context>

<pallas_src>
import functools

import jax
import jax.numpy as jnp
from jax import lax
from jax.experimental import pallas as pl
from jax.experimental.pallas import tpu as pltpu
from jax.experimental.pallas import tpu_sc as plsc

N_NODES = 10000
N_EDGES = 320000
D_FEAT = 128

N_CORES = 2
N_SUBCORES = 16
COLS = D_FEAT // N_CORES
EDGES_PER_TILE = N_EDGES // N_SUBCORES
BLOCK = 800
N_BLOCKS = EDGES_PER_TILE // BLOCK
SCATTER = 80
SC_PER_BLOCK = BLOCK // SCATTER
ROWS_PER_TILE = N_NODES // N_SUBCORES

_mesh = plsc.VectorSubcoreMesh(core_axis_name="c", subcore_axis_name="s")


@functools.partial(
    pl.kernel,
    out_type=jax.ShapeDtypeStruct((N_NODES, D_FEAT), jnp.float32),
    mesh=_mesh,
    scratch_types=[
        pltpu.VMEM((N_BLOCKS * SC_PER_BLOCK, SCATTER), jnp.int32),
        pltpu.VMEM((BLOCK, COLS), jnp.float32),
        pltpu.VMEM_SHARED((N_NODES, COLS), jnp.float32),
    ],
    compiler_params=pltpu.CompilerParams(use_tc_tiling_on_sc=False),
)
def _scatter_add(feat_hbm, idx_hbm, out_hbm, idx_v, feat_v, acc):
    c = lax.axis_index("c")
    s = lax.axis_index("s")
    col = c * COLS

    zv = jnp.zeros((16,), jnp.float32)

    def zero_body(i, carry):
        for k in range(COLS // 16):
            feat_v[i, pl.ds(k * 16, 16)] = zv
        return carry

    lax.fori_loop(0, ROWS_PER_TILE, zero_body, 0)
    pltpu.sync_copy(
        feat_v.at[pl.ds(0, ROWS_PER_TILE)],
        acc.at[pl.ds(s * ROWS_PER_TILE, ROWS_PER_TILE)],
    )
    plsc.subcore_barrier()

    pltpu.sync_copy(idx_hbm.at[s], idx_v)

    def body(j, carry):
        e0 = s * EDGES_PER_TILE + j * BLOCK
        pltpu.sync_copy(
            feat_hbm.at[pl.ds(e0, BLOCK), pl.ds(col, COLS)], feat_v
        )
        for k in range(SC_PER_BLOCK):
            pltpu.sync_copy(
                feat_v.at[pl.ds(k * SCATTER, SCATTER)],
                acc.at[idx_v.at[j * SC_PER_BLOCK + k]],
                add=True,
            )
        return carry

    lax.fori_loop(0, N_BLOCKS, body, 0)
    plsc.subcore_barrier()

    pltpu.sync_copy(
        acc.at[pl.ds(s * ROWS_PER_TILE, ROWS_PER_TILE)],
        out_hbm.at[pl.ds(s * ROWS_PER_TILE, ROWS_PER_TILE), pl.ds(col, COLS)],
    )


def kernel(edge_feat, edge_index, node_type):
    del node_type
    idx = edge_index[0].astype(jnp.int32).reshape(
        N_SUBCORES, N_BLOCKS * SC_PER_BLOCK, SCATTER
    )
    return _scatter_add(edge_feat, idx)

# --- scband reference (transcript-rebuilt; emitter-appended) ---
"""Pipeline reference for scband-edgewise-reduce-41506563948778 (READ-ONLY COPY).

The authoritative reference and input builder live on the scoring server;
editing this copy changes nothing except your own understanding.
"""

import jax, jax.numpy as jnp
import numpy as np

N_NODES = 10000
N_EDGES = 320000
D_FEAT = 128


def setup_inputs(seed: int = 0) -> dict:
    key = jax.random.key(seed)
    k1, k2, k3 = jax.random.split(key, 3)
    edge_feat = jax.random.normal(k1, (N_EDGES, D_FEAT), dtype=jnp.float32)
    edge_index = jax.random.randint(k2, (2, N_EDGES), 0, N_NODES, dtype=jnp.int64)
    node_type = jax.random.randint(k3, (N_NODES, 1), 0, 8, dtype=jnp.int64)
    return {"edge_feat": edge_feat, "edge_index": edge_index, "node_type": node_type}


def reference(edge_feat, edge_index, node_type):
    # EdgewiseReduce.forward: scatter-sum edge features onto destination (center) nodes.
    edge_center = edge_index[0]
    species = jnp.squeeze(node_type, axis=-1)
    num_nodes = species.shape[0]
    node_sum = jax.ops.segment_sum(edge_feat, edge_center, num_segments=num_nodes)
    return node_sum

if __name__ == "__main__":
    import jax
    _d = setup_inputs()
    print(jax.jit(kernel)(*tuple(_d.values())))

</pallas_src>

<mosaic_0001>
#map = affine_map<(d0, d1) -> (0, 0)>
#map1 = affine_map<(d0, d1) -> (0, 0, 0)>
module attributes {stable_mosaic.version = 14 : i64} {
  func.func @_scatter_add(%arg0: i32, %arg1: i32, %arg2: memref<320000x128xf32, #tpu.memory_space<hbm>>, %arg3: memref<16x250x80xi32, #tpu.memory_space<hbm>>, %arg4: memref<10000x128xf32, #tpu.memory_space<hbm>>, %arg5: memref<250x80xi32, #tpu.memory_space<vmem>>, %arg6: memref<800x64xf32, #tpu.memory_space<vmem>>, %arg7: memref<10000x64xf32, #tpu.memory_space<vmem_shared>>) attributes {dimension_semantics = [#tpu.dimension_semantics<core_parallel>, #tpu.dimension_semantics<subcore_parallel>], iteration_bounds = array<i64: 2, 16>, scalar_prefetch = 0 : i64, scratch_operands = 3 : i64, tpu.core_type = #tpu.core_type<sc_vector_subcore>, window_params = [{transform_indices = #map}, {transform_indices = #map1}, {transform_indices = #map}]} {
    %mul3A = arith.constant 64 : i32
    %mul3A_0 = arith.muli %arg0, %mul3A : i32
    %broadcast_in_dim3A = arith.constant 0.000000e+00 : f32
    %broadcast_in_dim3A_1 = vector.broadcast %broadcast_in_dim3A : f32 to vector<16xf32>
    %scan3A = arith.constant 0 : i32
    %scan3A_2 = arith.constant 0 : i32
    %scan3A_3 = arith.constant 625 : i32
    %scan3A_4 = arith.addi %scan3A_2, %scan3A_3 : i32
    %scan3A_5 = arith.constant 1 : i32
    scf.for %scan3A_20 = %scan3A_2 to %scan3A_4 step %scan3A_5  : i32 {
      %swap3A = arith.index_cast %scan3A_20 : i32 to index
      %swap3A_21 = arith.constant 0 : index
      %swap3A_22 = tpu.vector_load %arg6[%swap3A, %swap3A_21] {strides = array<i32>} : memref<800x64xf32, #tpu.memory_space<vmem>>, vector<1x16xf32>,
      %swap3A_23 = vector.shape_cast %swap3A_22 : vector<1x16xf32> to vector<16xf32>
      %swap3A_24 = vector.shape_cast %broadcast_in_dim3A_1 : vector<16xf32> to vector<1x16xf32>
      tpu.vector_store %arg6[%swap3A, %swap3A_21], %swap3A_24 {strides = array<i32>} : memref<800x64xf32, #tpu.memory_space<vmem>>, vector<1x16xf32>,
      %swap3A_25 = arith.index_cast %scan3A_20 : i32 to index
      %swap3A_26 = arith.constant 16 : index
      %swap3A_27 = tpu.vector_load %arg6[%swap3A_25, %swap3A_26] {strides = array<i32>} : memref<800x64xf32, #tpu.memory_space<vmem>>, vector<1x16xf32>,
      %swap3A_28 = vector.shape_cast %swap3A_27 : vector<1x16xf32> to vector<16xf32>
      %swap3A_29 = vector.shape_cast %broadcast_in_dim3A_1 : vector<16xf32> to vector<1x16xf32>
      tpu.vector_store %arg6[%swap3A_25, %swap3A_26], %swap3A_29 {strides = array<i32>} : memref<800x64xf32, #tpu.memory_space<vmem>>, vector<1x16xf32>,
      %swap3A_30 = arith.index_cast %scan3A_20 : i32 to index
      %swap3A_31 = arith.constant 32 : index
      %swap3A_32 = tpu.vector_load %arg6[%swap3A_30, %swap3A_31] {strides = array<i32>} : memref<800x64xf32, #tpu.memory_space<vmem>>, vector<1x16xf32>,
      %swap3A_33 = vector.shape_cast %swap3A_32 : vector<1x16xf32> to vector<16xf32>
      %swap3A_34 = vector.shape_cast %broadcast_in_dim3A_1 : vector<16xf32> to vector<1x16xf32>
      tpu.vector_store %arg6[%swap3A_30, %swap3A_31], %swap3A_34 {strides = array<i32>} : memref<800x64xf32, #tpu.memory_space<vmem>>, vector<1x16xf32>,
      %swap3A_35 = arith.index_cast %scan3A_20 : i32 to index
      %swap3A_36 = arith.constant 48 : index
      %swap3A_37 = tpu.vector_load %arg6[%swap3A_35, %swap3A_36] {strides = array<i32>} : memref<800x64xf32, #tpu.memory_space<vmem>>, vector<1x16xf32>,
      %swap3A_38 = vector.shape_cast %swap3A_37 : vector<1x16xf32> to vector<16xf32>
      %swap3A_39 = vector.shape_cast %broadcast_in_dim3A_1 : vector<16xf32> to vector<1x16xf32>
      tpu.vector_store %arg6[%swap3A_35, %swap3A_36], %swap3A_39 {strides = array<i32>} : memref<800x64xf32, #tpu.memory_space<vmem>>, vector<1x16xf32>,
    }
    %scan3A_6 = arith.constant 625 : i32
    %mul3A_7 = arith.constant 625 : i32
    %mul3A_8 = arith.muli %arg1, %mul3A_7 : i32
    "tpu.region"() ({
      %run_scoped3A = tpu.sem_alloc : memref<!tpu.dma_semaphore, #tpu.memory_space<semaphore_mem>>
      %dma_start3A = arith.constant 0 : i32
      %dma_start3A_20 = arith.constant 0 : i32
      %dma_start3A_21 = tpu.memref_slice %arg6[%dma_start3A, %dma_start3A_20] : memref<800x64xf32, #tpu.memory_space<vmem>> -> memref<625x64xf32, #tpu.memory_space<vmem>>
      %dma_start3A_22 = arith.constant 0 : i32
      %dma_start3A_23 = tpu.memref_slice %arg7[%mul3A_8, %dma_start3A_22] : memref<10000x64xf32, #tpu.memory_space<vmem_shared>> -> memref<625x64xf32, #tpu.memory_space<vmem_shared>>
      %dma_start3A_24 = arith.constant 0 : i32
      %dma_start3A_25 = tpu.memref_slice %arg7[%mul3A_8, %dma_start3A_24] : memref<10000x64xf32, #tpu.memory_space<vmem_shared>> -> memref<625x64xf32, #tpu.memory_space<vmem_shared>>
      %dma_start3A_26 = arith.constant 0 : i32
      %dma_start3A_27 = arith.constant 0 : i32
      %dma_start3A_28 = tpu.memref_slice %arg6[%dma_start3A_26, %dma_start3A_27] : memref<800x64xf32, #tpu.memory_space<vmem>> -> memref<625x64xf32, #tpu.memory_space<vmem>>
      tpu.enqueue_dma source(%dma_start3A_28 : memref<625x64xf32, #tpu.memory_space<vmem>>) target(%dma_start3A_25 : memref<625x64xf32, #tpu.memory_space<vmem_shared>>) target_semaphore(%run_scoped3A : memref<!tpu.dma_semaphore, #tpu.memory_space<semaphore_mem>>)
      %dma_wait3A = arith.constant 0 : i32
      %dma_wait3A_29 = arith.constant 0 : i32
      %dma_wait3A_30 = tpu.memref_slice %arg6[%dma_wait3A, %dma_wait3A_29] : memref<800x64xf32, #tpu.memory_space<vmem>> -> memref<625x64xf32, #tpu.memory_space<vmem>>
      %dma_wait3A_31 = arith.constant 0 : i32
      %dma_wait3A_32 = tpu.memref_slice %arg7[%mul3A_8, %dma_wait3A_31] : memref<10000x64xf32, #tpu.memory_space<vmem_shared>> -> memref<625x64xf32, #tpu.memory_space<vmem_shared>>
      %dma_wait3A_33 = arith.constant 0 : i32
      %dma_wait3A_34 = tpu.memref_slice %arg7[%mul3A_8, %dma_wait3A_33] : memref<10000x64xf32, #tpu.memory_space<vmem_shared>> -> memref<625x64xf32, #tpu.memory_space<vmem_shared>>
      %dma_wait3A_35 = arith.constant 0 : i32
      %dma_wait3A_36 = arith.constant 0 : i32
      %dma_wait3A_37 = tpu.memref_slice %arg6[%dma_wait3A_35, %dma_wait3A_36] : memref<800x64xf32, #tpu.memory_space<vmem>> -> memref<625x64xf32, #tpu.memory_space<vmem>>
      tpu.wait_dma2 semaphore(%run_scoped3A : memref<!tpu.dma_semaphore, #tpu.memory_space<semaphore_mem>>) src(%dma_wait3A_37 : memref<625x64xf32, #tpu.memory_space<vmem>>) dst(%dma_wait3A_34 : memref<625x64xf32, #tpu.memory_space<vmem_shared>>)
      tpu.yield
    }) : () -> ()
    %barrier3A = arith.constant 0 : index
    tpu.barrier barrier_id(%barrier3A)
    "tpu.region"() ({
      %run_scoped3A = tpu.sem_alloc : memref<!tpu.dma_semaphore, #tpu.memory_space<semaphore_mem>>
      %dma_start3A = arith.constant 0 : i32
      %dma_start3A_20 = arith.constant 0 : i32
      %dma_start3A_21 = tpu.memref_slice %arg3[%arg1, %dma_start3A, %dma_start3A_20] : memref<16x250x80xi32, #tpu.memory_space<hbm>> -> memref<1x250x80xi32, #tpu.memory_space<hbm>>
      %dma_start3A_22 = tpu.memref_squeeze %dma_start3A_21 : memref<1x250x80xi32, #tpu.memory_space<hbm>> -> memref<250x80xi32, #tpu.memory_space<hbm>>
      %dma_start3A_23 = arith.constant 0 : i32
      %dma_start3A_24 = arith.constant 0 : i32
      %dma_start3A_25 = tpu.memref_slice %arg3[%arg1, %dma_start3A_23, %dma_start3A_24] : memref<16x250x80xi32, #tpu.memory_space<hbm>> -> memref<1x250x80xi32, #tpu.memory_space<hbm>>
      %dma_start3A_26 = tpu.memref_squeeze %dma_start3A_25 : memref<1x250x80xi32, #tpu.memory_space<hbm>> -> memref<250x80xi32, #tpu.memory_space<hbm>>
      tpu.enqueue_dma source(%dma_start3A_26 : memref<250x80xi32, #tpu.memory_space<hbm>>) target(%arg5 : memref<250x80xi32, #tpu.memory_space<vmem>>) target_semaphore(%run_scoped3A : memref<!tpu.dma_semaphore, #tpu.memory_space<semaphore_mem>>)
      %dma_wait3A = arith.constant 0 : i32
      %dma_wait3A_27 = arith.constant 0 : i32
      %dma_wait3A_28 = tpu.memref_slice %arg3[%arg1, %dma_wait3A, %dma_wait3A_27] : memref<16x250x80xi32, #tpu.memory_space<hbm>> -> memref<1x250x80xi32, #tpu.memory_space<hbm>>
      %dma_wait3A_29 = tpu.memref_squeeze %dma_wait3A_28 : memref<1x250x80xi32, #tpu.memory_space<hbm>> -> memref<250x80xi32, #tpu.memory_space<hbm>>
      %dma_wait3A_30 = arith.constant 0 : i32
      %dma_wait3A_31 = arith.constant 0 : i32
      %dma_wait3A_32 = tpu.memref_slice %arg3[%arg1, %dma_wait3A_30, %dma_wait3A_31] : memref<16x250x80xi32, #tpu.memory_space<hbm>> -> memref<1x250x80xi32, #tpu.memory_space<hbm>>
      %dma_wait3A_33 = tpu.memref_squeeze %dma_wait3A_32 : memref<1x250x80xi32, #tpu.memory_space<hbm>> -> memref<250x80xi32, #tpu.memory_space<hbm>>
      tpu.wait_dma2 semaphore(%run_scoped3A : memref<!tpu.dma_semaphore, #tpu.memory_space<semaphore_mem>>) src(%dma_wait3A_33 : memref<250x80xi32, #tpu.memory_space<hbm>>) dst(%arg5 : memref<250x80xi32, #tpu.memory_space<vmem>>)
      tpu.yield
    }) : () -> ()
    %scan3A_9 = arith.constant 0 : i32
    %scan3A_10 = arith.constant 0 : i32
    %scan3A_11 = arith.constant 25 : i32
    %scan3A_12 = arith.addi %scan3A_10, %scan3A_11 : i32
    %scan3A_13 = arith.constant 1 : i32
    scf.for %scan3A_20 = %scan3A_10 to %scan3A_12 step %scan3A_13  : i32 {
      %mul3A_21 = arith.constant 20000 : i32
      %mul3A_22 = arith.muli %arg1, %mul3A_21 : i32
      %mul3A_23 = arith.constant 800 : i32
      %mul3A_24 = arith.muli %scan3A_20, %mul3A_23 : i32
      %add3A = arith.addi %mul3A_22, %mul3A_24 : i32
      "tpu.region"() ({
        %run_scoped3A = tpu.sem_alloc : memref<!tpu.dma_semaphore, #tpu.memory_space<semaphore_mem>>
        %dma_start3A = tpu.memref_slice %arg2[%add3A, %mul3A_0] : memref<320000x128xf32, #tpu.memory_space<hbm>> -> memref<800x64xf32, #tpu.memory_space<hbm>>
        %dma_start3A_65 = tpu.memref_slice %arg2[%add3A, %mul3A_0] : memref<320000x128xf32, #tpu.memory_space<hbm>> -> memref<800x64xf32, #tpu.memory_space<hbm>>
        tpu.enqueue_dma source(%dma_start3A_65 : memref<800x64xf32, #tpu.memory_space<hbm>>) target(%arg6 : memref<800x64xf32, #tpu.memory_space<vmem>>) target_semaphore(%run_scoped3A : memref<!tpu.dma_semaphore, #tpu.memory_space<semaphore_mem>>)
        %dma_wait3A = tpu.memref_slice %arg2[%add3A, %mul3A_0] : memref<320000x128xf32, #tpu.memory_space<hbm>> -> memref<800x64xf32, #tpu.memory_space<hbm>>
        %dma_wait3A_66 = tpu.memref_slice %arg2[%add3A, %mul3A_0] : memref<320000x128xf32, #tpu.memory_space<hbm>> -> memref<800x64xf32, #tpu.memory_space<hbm>>
        tpu.wait_dma2 semaphore(%run_scoped3A : memref<!tpu.dma_semaphore, #tpu.memory_space<semaphore_mem>>) src(%dma_wait3A_66 : memref<800x64xf32, #tpu.memory_space<hbm>>) dst(%arg6 : memref<800x64xf32, #tpu.memory_space<vmem>>)
        tpu.yield
      }) : () -> ()
      %mul3A_25 = arith.constant 10 : i32
      %mul3A_26 = arith.muli %scan3A_20, %mul3A_25 : i32
      %add3A_27 = arith.constant 0 : i32
      %add3A_28 = arith.addi %mul3A_26, %add3A_27 : i32
      "tpu.region"() ({
        %run_scoped3A = tpu.sem_alloc : memref<!tpu.dma_semaphore, #tpu.memory_space<semaphore_mem>>
        %dma_start3A = arith.constant 0 : i32
        %dma_start3A_65 = arith.constant 0 : i32
        %dma_start3A_66 = tpu.memref_slice %arg6[%dma_start3A, %dma_start3A_65] : memref<800x64xf32, #tpu.memory_space<vmem>> -> memref<80x64xf32, #tpu.memory_space<vmem>>
        %dma_start3A_67 = arith.constant 0 : i32
        %dma_start3A_68 = tpu.memref_slice %arg5[%add3A_28, %dma_start3A_67] : memref<250x80xi32, #tpu.memory_space<vmem>> -> memref<1x80xi32, #tpu.memory_space<vmem>>
        %dma_start3A_69 = tpu.memref_squeeze %dma_start3A_68 : memref<1x80xi32, #tpu.memory_space<vmem>> -> memref<80xi32, #tpu.memory_space<vmem>>
        %dma_start3A_70 = arith.constant 0 : i32
        %dma_start3A_71 = arith.constant 0 : i32
        %dma_start3A_72 = tpu.memref_slice %arg7[%dma_start3A_70, %dma_start3A_71] : memref<10000x64xf32, #tpu.memory_space<vmem_shared>> -> memref<10000x64xf32, #tpu.memory_space<vmem_shared>>
        tpu.enqueue_indirect_dma source(%dma_start3A_66 : memref<80x64xf32, #tpu.memory_space<vmem>>) target(%dma_start3A_72 : memref<10000x64xf32, #tpu.memory_space<vmem_shared>>) offsets(%dma_start3A_69 : memref<80xi32, #tpu.memory_space<vmem>>) semaphore(%run_scoped3A : memref<!tpu.dma_semaphore, #tpu.memory_space<semaphore_mem>>) {add = true}
        %dma_wait3A = arith.constant 0 : i32
        %dma_wait3A_73 = arith.constant 0 : i32
        %dma_wait3A_74 = tpu.memref_slice %arg6[%dma_wait3A, %dma_wait3A_73] : memref<800x64xf32, #tpu.memory_space<vmem>> -> memref<80x64xf32, #tpu.memory_space<vmem>>
        %dma_wait3A_75 = arith.constant 0 : i32
        %dma_wait3A_76 = tpu.memref_slice %arg5[%add3A_28, %dma_wait3A_75] : memref<250x80xi32, #tpu.memory_space<vmem>> -> memref<1x80xi32, #tpu.memory_space<vmem>>
        %dma_wait3A_77 = tpu.memref_squeeze %dma_wait3A_76 : memref<1x80xi32, #tpu.memory_space<vmem>> -> memref<80xi32, #tpu.memory_space<vmem>>
        %dma_wait3A_78 = arith.constant 0 : i32
        %dma_wait3A_79 = arith.constant 0 : i32
        %dma_wait3A_80 = tpu.memref_slice %arg7[%dma_wait3A_78, %dma_wait3A_79] : memref<10000x64xf32, #tpu.memory_space<vmem_shared>> -> memref<10000x64xf32, #tpu.memory_space<vmem_shared>>
        tpu.wait_indirect_dma semaphore(%run_scoped3A : memref<!tpu.dma_semaphore, #tpu.memory_space<semaphore_mem>>) src(%dma_wait3A_74 : memref<80x64xf32, #tpu.memory_space<vmem>>) dst(%dma_wait3A_80 : memref<10000x64xf32, #tpu.memory_space<vmem_shared>>)
        tpu.yield
      }) : () -> ()
      %mul3A_29 = arith.constant 10 : i32
      %mul3A_30 = arith.muli %scan3A_20, %mul3A_29 : i32
      %add3A_31 = arith.constant 1 : i32
      %add3A_32 = arith.addi %mul3A_30, %add3A_31 : i32
      "tpu.region"() ({
        %run_scoped3A = tpu.sem_alloc : memref<!tpu.dma_semaphore, #tpu.memory_space<semaphore_mem>>
        %dma_start3A = arith.constant 80 : i32
        %dma_start3A_65 = arith.constant 0 : i32
        %dma_start3A_66 = tpu.memref_slice %arg6[%dma_start3A, %dma_start3A_65] : memref<800x64xf32, #tpu.memory_space<vmem>> -> memref<80x64xf32, #tpu.memory_space<vmem>>
        %dma_start3A_67 = arith.constant 0 : i32
        %dma_start3A_68 = tpu.memref_slice %arg5[%add3A_32, %dma_start3A_67] : memref<250x80xi32, #tpu.memory_space<vmem>> -> memref<1x80xi32, #tpu.memory_space<vmem>>
        %dma_start3A_69 = tpu.memref_squeeze %dma_start3A_68 : memref<1x80xi32, #tpu.memory_space<vmem>> -> memref<80xi32, #tpu.memory_space<vmem>>
        %dma_start3A_70 = arith.constant 0 : i32
        %dma_start3A_71 = arith.constant 0 : i32
        %dma_start3A_72 = tpu.memref_slice %arg7[%dma_start3A_70, %dma_start3A_71] : memref<10000x64xf32, #tpu.memory_space<vmem_shared>> -> memref<10000x64xf32, #tpu.memory_space<vmem_shared>>
        tpu.enqueue_indirect_dma source(%dma_start3A_66 : memref<80x64xf32, #tpu.memory_space<vmem>>) target(%dma_start3A_72 : memref<10000x64xf32, #tpu.memory_space<vmem_shared>>) offsets(%dma_start3A_69 : memref<80xi32, #tpu.memory_space<vmem>>) semaphore(%run_scoped3A : memref<!tpu.dma_semaphore, #tpu.memory_space<semaphore_mem>>) {add = true}
        %dma_wait3A = arith.constant 80 : i32
        %dma_wait3A_73 = arith.constant 0 : i32
        %dma_wait3A_74 = tpu.memref_slice %arg6[%dma_wait3A, %dma_wait3A_73] : memref<800x64xf32, #tpu.memory_space<vmem>> -> memref<80x64xf32, #tpu.memory_space<vmem>>
        %dma_wait3A_75 = arith.constant 0 : i32
        %dma_wait3A_76 = tpu.memref_slice %arg5[%add3A_32, %dma_wait3A_75] : memref<250x80xi32, #tpu.memory_space<vmem>> -> memref<1x80xi32, #tpu.memory_space<vmem>>
        %dma_wait3A_77 = tpu.memref_squeeze %dma_wait3A_76 : memref<1x80xi32, #tpu.memory_space<vmem>> -> memref<80xi32, #tpu.memory_space<vmem>>
        %dma_wait3A_78 = arith.constant 0 : i32
        %dma_wait3A_79 = arith.constant 0 : i32
        %dma_wait3A_80 = tpu.memref_slice %arg7[%dma_wait3A_78, %dma_wait3A_79] : memref<10000x64xf32, #tpu.memory_space<vmem_shared>> -> memref<10000x64xf32, #tpu.memory_space<vmem_shared>>
        tpu.wait_indirect_dma semaphore(%run_scoped3A : memref<!tpu.dma_semaphore, #tpu.memory_space<semaphore_mem>>) src(%dma_wait3A_74 : memref<80x64xf32, #tpu.memory_space<vmem>>) dst(%dma_wait3A_80 : memref<10000x64xf32, #tpu.memory_space<vmem_shared>>)
        tpu.yield
      }) : () -> ()
      %mul3A_33 = arith.constant 10 : i32
      %mul3A_34 = arith.muli %scan3A_20, %mul3A_33 : i32
      %add3A_35 = arith.constant 2 : i32
      %add3A_36 = arith.addi %mul3A_34, %add3A_35 : i32
      "tpu.region"() ({
        %run_scoped3A = tpu.sem_alloc : memref<!tpu.dma_semaphore, #tpu.memory_space<semaphore_mem>>
        %dma_start3A = arith.constant 160 : i32
        %dma_start3A_65 = arith.constant 0 : i32
        %dma_start3A_66 = tpu.memref_slice %arg6[%dma_start3A, %dma_start3A_65] : memref<800x64xf32, #tpu.memory_space<vmem>> -> memref<80x64xf32, #tpu.memory_space<vmem>>
        %dma_start3A_67 = arith.constant 0 : i32
        %dma_start3A_68 = tpu.memref_slice %arg5[%add3A_36, %dma_start3A_67] : memref<250x80xi32, #tpu.memory_space<vmem>> -> memref<1x80xi32, #tpu.memory_space<vmem>>
        %dma_start3A_69 = tpu.memref_squeeze %dma_start3A_68 : memref<1x80xi32, #tpu.memory_space<vmem>> -> memref<80xi32, #tpu.memory_space<vmem>>
        %dma_start3A_70 = arith.constant 0 : i32
        %dma_start3A_71 = arith.constant 0 : i32
        %dma_start3A_72 = tpu.memref_slice %arg7[%dma_start3A_70, %dma_start3A_71] : memref<10000x64xf32, #tpu.memory_space<vmem_shared>> -> memref<10000x64xf32, #tpu.memory_space<vmem_shared>>
        tpu.enqueue_indirect_dma source(%dma_start3A_66 : memref<80x64xf32, #tpu.memory_space<vmem>>) target(%dma_start3A_72 : memref<10000x64xf32, #tpu.memory_space<vmem_shared>>) offsets(%dma_start3A_69 : memref<80xi32, #tpu.memory_space<vmem>>) semaphore(%run_scoped3A : memref<!tpu.dma_semaphore, #tpu.memory_space<semaphore_mem>>) {add = true}
        %dma_wait3A = arith.constant 160 : i32
        %dma_wait3A_73 = arith.constant 0 : i32
        %dma_wait3A_74 = tpu.memref_slice %arg6[%dma_wait3A, %dma_wait3A_73] : memref<800x64xf32, #tpu.memory_space<vmem>> -> memref<80x64xf32, #tpu.memory_space<vmem>>
        %dma_wait3A_75 = arith.constant 0 : i32
        %dma_wait3A_76 = tpu.memref_slice %arg5[%add3A_36, %dma_wait3A_75] : memref<250x80xi32, #tpu.memory_space<vmem>> -> memref<1x80xi32, #tpu.memory_space<vmem>>
        %dma_wait3A_77 = tpu.memref_squeeze %dma_wait3A_76 : memref<1x80xi32, #tpu.memory_space<vmem>> -> memref<80xi32, #tpu.memory_space<vmem>>
        %dma_wait3A_78 = arith.constant 0 : i32
        %dma_wait3A_79 = arith.constant 0 : i32
        %dma_wait3A_80 = tpu.memref_slice %arg7[%dma_wait3A_78, %dma_wait3A_79] : memref<10000x64xf32, #tpu.memory_space<vmem_shared>> -> memref<10000x64xf32, #tpu.memory_space<vmem_shared>>
        tpu.wait_indirect_dma semaphore(%run_scoped3A : memref<!tpu.dma_semaphore, #tpu.memory_space<semaphore_mem>>) src(%dma_wait3A_74 : memref<80x64xf32, #tpu.memory_space<vmem>>) dst(%dma_wait3A_80 : memref<10000x64xf32, #tpu.memory_space<vmem_shared>>)
        tpu.yield
      }) : () -> ()
      %mul3A_37 = arith.constant 10 : i32
      %mul3A_38 = arith.muli %scan3A_20, %mul3A_37 : i32
      %add3A_39 = arith.constant 3 : i32
      %add3A_40 = arith.addi %mul3A_38, %add3A_39 : i32
      "tpu.region"() ({
        %run_scoped3A = tpu.sem_alloc : memref<!tpu.dma_semaphore, #tpu.memory_space<semaphore_mem>>
        %dma_start3A = arith.constant 240 : i32
        %dma_start3A_65 = arith.constant 0 : i32
        %dma_start3A_66 = tpu.memref_slice %arg6[%dma_start3A, %dma_start3A_65] : memref<800x64xf32, #tpu.memory_space<vmem>> -> memref<80x64xf32, #tpu.memory_space<vmem>>
        %dma_start3A_67 = arith.constant 0 : i32
        %dma_start3A_68 = tpu.memref_slice %arg5[%add3A_40, %dma_start3A_67] : memref<250x80xi32, #tpu.memory_space<vmem>> -> memref<1x80xi32, #tpu.memory_space<vmem>>
        %dma_start3A_69 = tpu.memref_squeeze %dma_start3A_68 : memref<1x80xi32, #tpu.memory_space<vmem>> -> memref<80xi32, #tpu.memory_space<vmem>>
        %dma_start3A_70 = arith.constant 0 : i32
        %dma_start3A_71 = arith.constant 0 : i32
        %dma_start3A_72 = tpu.memref_slice %arg7[%dma_start3A_70, %dma_start3A_71] : memref<10000x64xf32, #tpu.memory_space<vmem_shared>> -> memref<10000x64xf32, #tpu.memory_space<vmem_shared>>
        tpu.enqueue_indirect_dma source(%dma_start3A_66 : memref<80x64xf32, #tpu.memory_space<vmem>>) target(%dma_start3A_72 : memref<10000x64xf32, #tpu.memory_space<vmem_shared>>) offsets(%dma_start3A_69 : memref<80xi32, #tpu.memory_space<vmem>>) semaphore(%run_scoped3A : memref<!tpu.dma_semaphore, #tpu.memory_space<semaphore_mem>>) {add = true}
        %dma_wait3A = arith.constant 240 : i32
        %dma_wait3A_73 = arith.constant 0 : i32
        %dma_wait3A_74 = tpu.memref_slice %arg6[%dma_wait3A, %dma_wait3A_73] : memref<800x64xf32, #tpu.memory_space<vmem>> -> memref<80x64xf32, #tpu.memory_space<vmem>>
        %dma_wait3A_75 = arith.constant 0 : i32
        %dma_wait3A_76 = tpu.memref_slice %arg5[%add3A_40, %dma_wait3A_75] : memref<250x80xi32, #tpu.memory_space<vmem>> -> memref<1x80xi32, #tpu.memory_space<vmem>>
        %dma_wait3A_77 = tpu.memref_squeeze %dma_wait3A_76 : memref<1x80xi32, #tpu.memory_space<vmem>> -> memref<80xi32, #tpu.memory_space<vmem>>
        %dma_wait3A_78 = arith.constant 0 : i32
        %dma_wait3A_79 = arith.constant 0 : i32
        %dma_wait3A_80 = tpu.memref_slice %arg7[%dma_wait3A_78, %dma_wait3A_79] : memref<10000x64xf32, #tpu.memory_space<vmem_shared>> -> memref<10000x64xf32, #tpu.memory_space<vmem_shared>>
        tpu.wait_indirect_dma semaphore(%run_scoped3A : memref<!tpu.dma_semaphore, #tpu.memory_space<semaphore_mem>>) src(%dma_wait3A_74 : memref<80x64xf32, #tpu.memory_space<vmem>>) dst(%dma_wait3A_80 : memref<10000x64xf32, #tpu.memory_space<vmem_shared>>)
        tpu.yield
      }) : () -> ()
      %mul3A_41 = arith.constant 10 : i32
      %mul3A_42 = arith.muli %scan3A_20, %mul3A_41 : i32
      %add3A_43 = arith.constant 4 : i32
      %add3A_44 = arith.addi %mul3A_42, %add3A_43 : i32
      "tpu.region"() ({
        %run_scoped3A = tpu.sem_alloc : memref<!tpu.dma_semaphore, #tpu.memory_space<semaphore_mem>>
        %dma_start3A = arith.constant 320 : i32
        %dma_start3A_65 = arith.constant 0 : i32
        %dma_start3A_66 = tpu.memref_slice %arg6[%dma_start3A, %dma_start3A_65] : memref<800x64xf32, #tpu.memory_space<vmem>> -> memref<80x64xf32, #tpu.memory_space<vmem>>
        %dma_start3A_67 = arith.constant 0 : i32
        %dma_start3A_68 = tpu.memref_slice %arg5[%add3A_44, %dma_start3A_67] : memref<250x80xi32, #tpu.memory_space<vmem>> -> memref<1x80xi32, #tpu.memory_space<vmem>>
        %dma_start3A_69 = tpu.memref_squeeze %dma_start3A_68 : memref<1x80xi32, #tpu.memory_space<vmem>> -> memref<80xi32, #tpu.memory_space<vmem>>
        %dma_start3A_70 = arith.constant 0 : i32
        %dma_start3A_71 = arith.constant 0 : i32
        %dma_start3A_72 = tpu.memref_slice %arg7[%dma_start3A_70, %dma_start3A_71] : memref<10000x64xf32, #tpu.memory_space<vmem_shared>> -> memref<10000x64xf32, #tpu.memory_space<vmem_shared>>
        tpu.enqueue_indirect_dma source(%dma_start3A_66 : memref<80x64xf32, #tpu.memory_space<vmem>>) target(%dma_start3A_72 : memref<10000x64xf32, #tpu.memory_space<vmem_shared>>) offsets(%dma_start3A_69 : memref<80xi32, #tpu.memory_space<vmem>>) semaphore(%run_scoped3A : memref<!tpu.dma_semaphore, #tpu.memory_space<semaphore_mem>>) {add = true}
        %dma_wait3A = arith.constant 320 : i32
        %dma_wait3A_73 = arith.constant 0 : i32
        %dma_wait3A_74 = tpu.memref_slice %arg6[%dma_wait3A, %dma_wait3A_73] : memref<800x64xf32, #tpu.memory_space<vmem>> -> memref<80x64xf32, #tpu.memory_space<vmem>>
        %dma_wait3A_75 = arith.constant 0 : i32
        %dma_wait3A_76 = tpu.memref_slice %arg5[%add3A_44, %dma_wait3A_75] : memref<250x80xi32, #tpu.memory_space<vmem>> -> memref<1x80xi32, #tpu.memory_space<vmem>>
        %dma_wait3A_77 = tpu.memref_squeeze %dma_wait3A_76 : memref<1x80xi32, #tpu.memory_space<vmem>> -> memref<80xi32, #tpu.memory_space<vmem>>
        %dma_wait3A_78 = arith.constant 0 : i32
        %dma_wait3A_79 = arith.constant 0 : i32
        %dma_wait3A_80 = tpu.memref_slice %arg7[%dma_wait3A_78, %dma_wait3A_79] : memref<10000x64xf32, #tpu.memory_space<vmem_shared>> -> memref<10000x64xf32, #tpu.memory_space<vmem_shared>>
        tpu.wait_indirect_dma semaphore(%run_scoped3A : memref<!tpu.dma_semaphore, #tpu.memory_space<semaphore_mem>>) src(%dma_wait3A_74 : memref<80x64xf32, #tpu.memory_space<vmem>>) dst(%dma_wait3A_80 : memref<10000x64xf32, #tpu.memory_space<vmem_shared>>)
        tpu.yield
      }) : () -> ()
      %mul3A_45 = arith.constant 10 : i32
      %mul3A_46 = arith.muli %scan3A_20, %mul3A_45 : i32
      %add3A_47 = arith.constant 5 : i32
      %add3A_48 = arith.addi %mul3A_46, %add3A_47 : i32
      "tpu.region"() ({
        %run_scoped3A = tpu.sem_alloc : memref<!tpu.dma_semaphore, #tpu.memory_space<semaphore_mem>>
        %dma_start3A = arith.constant 400 : i32
        %dma_start3A_65 = arith.constant 0 : i32
        %dma_start3A_66 = tpu.memref_slice %arg6[%dma_start3A, %dma_start3A_65] : memref<800x64xf32, #tpu.memory_space<vmem>> -> memref<80x64xf32, #tpu.memory_space<vmem>>
        %dma_start3A_67 = arith.constant 0 : i32
        %dma_start3A_68 = tpu.memref_slice %arg5[%add3A_48, %dma_start3A_67] : memref<250x80xi32, #tpu.memory_space<vmem>> -> memref<1x80xi32, #tpu.memory_space<vmem>>
        %dma_start3A_69 = tpu.memref_squeeze %dma_start3A_68 : memref<1x80xi32, #tpu.memory_space<vmem>> -> memref<80xi32, #tpu.memory_space<vmem>>
        %dma_start3A_70 = arith.constant 0 : i32
        %dma_start3A_71 = arith.constant 0 : i32
        %dma_start3A_72 = tpu.memref_slice %arg7[%dma_start3A_70, %dma_start3A_71] : memref<10000x64xf32, #tpu.memory_space<vmem_shared>> -> memref<10000x64xf32, #tpu.memory_space<vmem_shared>>
        tpu.enqueue_indirect_dma source(%dma_start3A_66 : memref<80x64xf32, #tpu.memory_space<vmem>>) target(%dma_start3A_72 : memref<10000x64xf32, #tpu.memory_space<vmem_shared>>) offsets(%dma_start3A_69 : memref<80xi32, #tpu.memory_space<vmem>>) semaphore(%run_scoped3A : memref<!tpu.dma_semaphore, #tpu.memory_space<semaphore_mem>>) {add = true}
        %dma_wait3A = arith.constant 400 : i32
        %dma_wait3A_73 = arith.constant 0 : i32
        %dma_wait3A_74 = tpu.memref_slice %arg6[%dma_wait3A, %dma_wait3A_73] : memref<800x64xf32, #tpu.memory_space<vmem>> -> memref<80x64xf32, #tpu.memory_space<vmem>>
        %dma_wait3A_75 = arith.constant 0 : i32
        %dma_wait3A_76 = tpu.memref_slice %arg5[%add3A_48, %dma_wait3A_75] : memref<250x80xi32, #tpu.memory_space<vmem>> -> memref<1x80xi32, #tpu.memory_space<vmem>>
        %dma_wait3A_77 = tpu.memref_squeeze %dma_wait3A_76 : memref<1x80xi32, #tpu.memory_space<vmem>> -> memref<80xi32, #tpu.memory_space<vmem>>
        %dma_wait3A_78 = arith.constant 0 : i32
        %dma_wait3A_79 = arith.constant 0 : i32
        %dma_wait3A_80 = tpu.memref_slice %arg7[%dma_wait3A_78, %dma_wait3A_79] : memref<10000x64xf32, #tpu.memory_space<vmem_shared>> -> memref<10000x64xf32, #tpu.memory_space<vmem_shared>>
        tpu.wait_indirect_dma semaphore(%run_scoped3A : memref<!tpu.dma_semaphore, #tpu.memory_space<semaphore_mem>>) src(%dma_wait3A_74 : memref<80x64xf32, #tpu.memory_space<vmem>>) dst(%dma_wait3A_80 : memref<10000x64xf32, #tpu.memory_space<vmem_shared>>)
        tpu.yield
      }) : () -> ()
      %mul3A_49 = arith.constant 10 : i32
      %mul3A_50 = arith.muli %scan3A_20, %mul3A_49 : i32
      %add3A_51 = arith.constant 6 : i32
      %add3A_52 = arith.addi %mul3A_50, %add3A_51 : i32
      "tpu.region"() ({
        %run_scoped3A = tpu.sem_alloc : memref<!tpu.dma_semaphore, #tpu.memory_space<semaphore_mem>>
        %dma_start3A = arith.constant 480 : i32
        %dma_start3A_65 = arith.constant 0 : i32
        %dma_start3A_66 = tpu.memref_slice %arg6[%dma_start3A, %dma_start3A_65] : memref<800x64xf32, #tpu.memory_space<vmem>> -> memref<80x64xf32, #tpu.memory_space<vmem>>
        %dma_start3A_67 = arith.constant 0 : i32
        %dma_start3A_68 = tpu.memref_slice %arg5[%add3A_52, %dma_start3A_67] : memref<250x80xi32, #tpu.memory_space<vmem>> -> memref<1x80xi32, #tpu.memory_space<vmem>>
        %dma_start3A_69 = tpu.memref_squeeze %dma_start3A_68 : memref<1x80xi32, #tpu.memory_space<vmem>> -> memref<80xi32, #tpu.memory_space<vmem>>
        %dma_start3A_70 = arith.constant 0 : i32
        %dma_start3A_71 = arith.constant 0 : i32
        %dma_start3A_72 = tpu.memref_slice %arg7[%dma_start3A_70, %dma_start3A_71] : memref<10000x64xf32, #tpu.memory_space<vmem_shared>> -> memref<10000x64xf32, #tpu.memory_space<vmem_shared>>
        tpu.enqueue_indirect_dma source(%dma_start3A_66 : memref<80x64xf32, #tpu.memory_space<vmem>>) target(%dma_start3A_72 : memref<10000x64xf32, #tpu.memory_space<vmem_shared>>) offsets(%dma_start3A_69 : memref<80xi32, #tpu.memory_space<vmem>>) semaphore(%run_scoped3A : memref<!tpu.dma_semaphore, #tpu.memory_space<semaphore_mem>>) {add = true}
        %dma_wait3A = arith.constant 480 : i32
        %dma_wait3A_73 = arith.constant 0 : i32
        %dma_wait3A_74 = tpu.memref_slice %arg6[%dma_wait3A, %dma_wait3A_73] : memref<800x64xf32, #tpu.memory_space<vmem>> -> memref<80x64xf32, #tpu.memory_space<vmem>>
        %dma_wait3A_75 = arith.constant 0 : i32
        %dma_wait3A_76 = tpu.memref_slice %arg5[%add3A_52, %dma_wait3A_75] : memref<250x80xi32, #tpu.memory_space<vmem>> -> memref<1x80xi32, #tpu.memory_space<vmem>>
        %dma_wait3A_77 = tpu.memref_squeeze %dma_wait3A_76 : memref<1x80xi32, #tpu.memory_space<vmem>> -> memref<80xi32, #tpu.memory_space<vmem>>
        %dma_wait3A_78 = arith.constant 0 : i32
        %dma_wait3A_79 = arith.constant 0 : i32
        %dma_wait3A_80 = tpu.memref_slice %arg7[%dma_wait3A_78, %dma_wait3A_79] : memref<10000x64xf32, #tpu.memory_space<vmem_shared>> -> memref<10000x64xf32, #tpu.memory_space<vmem_shared>>
        tpu.wait_indirect_dma semaphore(%run_scoped3A : memref<!tpu.dma_semaphore, #tpu.memory_space<semaphore_mem>>) src(%dma_wait3A_74 : memref<80x64xf32, #tpu.memory_space<vmem>>) dst(%dma_wait3A_80 : memref<10000x64xf32, #tpu.memory_space<vmem_shared>>)
        tpu.yield
      }) : () -> ()
      %mul3A_53 = arith.constant 10 : i32
      %mul3A_54 = arith.muli %scan3A_20, %mul3A_53 : i32
      %add3A_55 = arith.constant 7 : i32
      %add3A_56 = arith.addi %mul3A_54, %add3A_55 : i32
      "tpu.region"() ({
        %run_scoped3A = tpu.sem_alloc : memref<!tpu.dma_semaphore, #tpu.memory_space<semaphore_mem>>
        %dma_start3A = arith.constant 560 : i32
        %dma_start3A_65 = arith.constant 0 : i32
        %dma_start3A_66 = tpu.memref_slice %arg6[%dma_start3A, %dma_start3A_65] : memref<800x64xf32, #tpu.memory_space<vmem>> -> memref<80x64xf32, #tpu.memory_space<vmem>>
        %dma_start3A_67 = arith.constant 0 : i32
        %dma_start3A_68 = tpu.memref_slice %arg5[%add3A_56, %dma_start3A_67] : memref<250x80xi32, #tpu.memory_space<vmem>> -> memref<1x80xi32, #tpu.memory_space<vmem>>
        %dma_start3A_69 = tpu.memref_squeeze %dma_start3A_68 : memref<1x80xi32, #tpu.memory_space<vmem>> -> memref<80xi32, #tpu.memory_space<vmem>>
        %dma_start3A_70 = arith.constant 0 : i32
        %dma_start3A_71 = arith.constant 0 : i32
        %dma_start3A_72 = tpu.memref_slice %arg7[%dma_start3A_70, %dma_start3A_71] : memref<10000x64xf32, #tpu.memory_space<vmem_shared>> -> memref<10000x64xf32, #tpu.memory_space<vmem_shared>>
        tpu.enqueue_indirect_dma source(%dma_start3A_66 : memref<80x64xf32, #tpu.memory_space<vmem>>) target(%dma_start3A_72 : memref<10000x64xf32, #tpu.memory_space<vmem_shared>>) offsets(%dma_start3A_69 : memref<80xi32, #tpu.memory_space<vmem>>) semaphore(%run_scoped3A : memref<!tpu.dma_semaphore, #tpu.memory_space<semaphore_mem>>) {add = true}
        %dma_wait3A = arith.constant 560 : i32
        %dma_wait3A_73 = arith.constant 0 : i32
        %dma_wait3A_74 = tpu.memref_slice %arg6[%dma_wait3A, %dma_wait3A_73] : memref<800x64xf32, #tpu.memory_space<vmem>> -> memref<80x64xf32, #tpu.memory_space<vmem>>
        %dma_wait3A_75 = arith.constant 0 : i32
        %dma_wait3A_76 = tpu.memref_slice %arg5[%add3A_56, %dma_wait3A_75] : memref<250x80xi32, #tpu.memory_space<vmem>> -> memref<1x80xi32, #tpu.memory_space<vmem>>
        %dma_wait3A_77 = tpu.memref_squeeze %dma_wait3A_76 : memref<1x80xi32, #tpu.memory_space<vmem>> -> memref<80xi32, #tpu.memory_space<vmem>>
        %dma_wait3A_78 = arith.constant 0 : i32
        %dma_wait3A_79 = arith.constant 0 : i32
        %dma_wait3A_80 = tpu.memref_slice %arg7[%dma_wait3A_78, %dma_wait3A_79] : memref<10000x64xf32, #tpu.memory_space<vmem_shared>> -> memref<10000x64xf32, #tpu.memory_space<vmem_shared>>
        tpu.wait_indirect_dma semaphore(%run_scoped3A : memref<!tpu.dma_semaphore, #tpu.memory_space<semaphore_mem>>) src(%dma_wait3A_74 : memref<80x64xf32, #tpu.memory_space<vmem>>) dst(%dma_wait3A_80 : memref<10000x64xf32, #tpu.memory_space<vmem_shared>>)
        tpu.yield
      }) : () -> ()
      %mul3A_57 = arith.constant 10 : i32
      %mul3A_58 = arith.muli %scan3A_20, %mul3A_57 : i32
      %add3A_59 = arith.constant 8 : i32
      %add3A_60 = arith.addi %mul3A_58, %add3A_59 : i32
      "tpu.region"() ({
        %run_scoped3A = tpu.sem_alloc : memref<!tpu.dma_semaphore, #tpu.memory_space<semaphore_mem>>
        %dma_start3A = arith.constant 640 : i32
        %dma_start3A_65 = arith.constant 0 : i32
        %dma_start3A_66 = tpu.memref_slice %arg6[%dma_start3A, %dma_start3A_65] : memref<800x64xf32, #tpu.memory_space<vmem>> -> memref<80x64xf32, #tpu.memory_space<vmem>>
        %dma_start3A_67 = arith.constant 0 : i32
        %dma_start3A_68 = tpu.memref_slice %arg5[%add3A_60, %dma_start3A_67] : memref<250x80xi32, #tpu.memory_space<vmem>> -> memref<1x80xi32, #tpu.memory_space<vmem>>
        %dma_start3A_69 = tpu.memref_squeeze %dma_start3A_68 : memref<1x80xi32, #tpu.memory_space<vmem>> -> memref<80xi32, #tpu.memory_space<vmem>>
        %dma_start3A_70 = arith.constant 0 : i32
        %dma_start3A_71 = arith.constant 0 : i32
        %dma_start3A_72 = tpu.memref_slice %arg7[%dma_start3A_70, %dma_start3A_71] : memref<10000x64xf32, #tpu.memory_space<vmem_shared>> -> memref<10000x64xf32, #tpu.memory_space<vmem_shared>>
        tpu.enqueue_indirect_dma source(%dma_start3A_66 : memref<80x64xf32, #tpu.memory_space<vmem>>) target(%dma_start3A_72 : memref<10000x64xf32, #tpu.memory_space<vmem_shared>>) offsets(%dma_start3A_69 : memref<80xi32, #tpu.memory_space<vmem>>) semaphore(%run_scoped3A : memref<!tpu.dma_semaphore, #tpu.memory_space<semaphore_mem>>) {add = true}
        %dma_wait3A = arith.constant 640 : i32
        %dma_wait3A_73 = arith.constant 0 : i32
        %dma_wait3A_74 = tpu.memref_slice %arg6[%dma_wait3A, %dma_wait3A_73] : memref<800x64xf32, #tpu.memory_space<vmem>> -> memref<80x64xf32, #tpu.memory_space<vmem>>
        %dma_wait3A_75 = arith.constant 0 : i32
        %dma_wait3A_76 = tpu.memref_slice %arg5[%add3A_60, %dma_wait3A_75] : memref<250x80xi32, #tpu.memory_space<vmem>> -> memref<1x80xi32, #tpu.memory_space<vmem>>
        %dma_wait3A_77 = tpu.memref_squeeze %dma_wait3A_76 : memref<1x80xi32, #tpu.memory_space<vmem>> -> memref<80xi32, #tpu.memory_space<vmem>>
        %dma_wait3A_78 = arith.constant 0 : i32
        %dma_wait3A_79 = arith.constant 0 : i32
        %dma_wait3A_80 = tpu.memref_slice %arg7[%dma_wait3A_78, %dma_wait3A_79] : memref<10000x64xf32, #tpu.memory_space<vmem_shared>> -> memref<10000x64xf32, #tpu.memory_space<vmem_shared>>
        tpu.wait_indirect_dma semaphore(%run_scoped3A : memref<!tpu.dma_semaphore, #tpu.memory_space<semaphore_mem>>) src(%dma_wait3A_74 : memref<80x64xf32, #tpu.memory_space<vmem>>) dst(%dma_wait3A_80 : memref<10000x64xf32, #tpu.memory_space<vmem_shared>>)
        tpu.yield
      }) : () -> ()
      %mul3A_61 = arith.constant 10 : i32
      %mul3A_62 = arith.muli %scan3A_20, %mul3A_61 : i32
      %add3A_63 = arith.constant 9 : i32
      %add3A_64 = arith.addi %mul3A_62, %add3A_63 : i32
      "tpu.region"() ({
        %run_scoped3A = tpu.sem_alloc : memref<!tpu.dma_semaphore, #tpu.memory_space<semaphore_mem>>
        %dma_start3A = arith.constant 720 : i32
        %dma_start3A_65 = arith.constant 0 : i32
        %dma_start3A_66 = tpu.memref_slice %arg6[%dma_start3A, %dma_start3A_65] : memref<800x64xf32, #tpu.memory_space<vmem>> -> memref<80x64xf32, #tpu.memory_space<vmem>>
        %dma_start3A_67 = arith.constant 0 : i32
        %dma_start3A_68 = tpu.memref_slice %arg5[%add3A_64, %dma_start3A_67] : memref<250x80xi32, #tpu.memory_space<vmem>> -> memref<1x80xi32, #tpu.memory_space<vmem>>
        %dma_start3A_69 = tpu.memref_squeeze %dma_start3A_68 : memref<1x80xi32, #tpu.memory_space<vmem>> -> memref<80xi32, #tpu.memory_space<vmem>>
        %dma_start3A_70 = arith.constant 0 : i32
        %dma_start3A_71 = arith.constant 0 : i32
        %dma_start3A_72 = tpu.memref_slice %arg7[%dma_start3A_70, %dma_start3A_71] : memref<10000x64xf32, #tpu.memory_space<vmem_shared>> -> memref<10000x64xf32, #tpu.memory_space<vmem_shared>>
        tpu.enqueue_indirect_dma source(%dma_start3A_66 : memref<80x64xf32, #tpu.memory_space<vmem>>) target(%dma_start3A_72 : memref<10000x64xf32, #tpu.memory_space<vmem_shared>>) offsets(%dma_start3A_69 : memref<80xi32, #tpu.memory_space<vmem>>) semaphore(%run_scoped3A : memref<!tpu.dma_semaphore, #tpu.memory_space<semaphore_mem>>) {add = true}
        %dma_wait3A = arith.constant 720 : i32
        %dma_wait3A_73 = arith.constant 0 : i32
        %dma_wait3A_74 = tpu.memref_slice %arg6[%dma_wait3A, %dma_wait3A_73] : memref<800x64xf32, #tpu.memory_space<vmem>> -> memref<80x64xf32, #tpu.memory_space<vmem>>
        %dma_wait3A_75 = arith.constant 0 : i32
        %dma_wait3A_76 = tpu.memref_slice %arg5[%add3A_64, %dma_wait3A_75] : memref<250x80xi32, #tpu.memory_space<vmem>> -> memref<1x80xi32, #tpu.memory_space<vmem>>
        %dma_wait3A_77 = tpu.memref_squeeze %dma_wait3A_76 : memref<1x80xi32, #tpu.memory_space<vmem>> -> memref<80xi32, #tpu.memory_space<vmem>>
        %dma_wait3A_78 = arith.constant 0 : i32
        %dma_wait3A_79 = arith.constant 0 : i32
        %dma_wait3A_80 = tpu.memref_slice %arg7[%dma_wait3A_78, %dma_wait3A_79] : memref<10000x64xf32, #tpu.memory_space<vmem_shared>> -> memref<10000x64xf32, #tpu.memory_space<vmem_shared>>
        tpu.wait_indirect_dma semaphore(%run_scoped3A : memref<!tpu.dma_semaphore, #tpu.memory_space<semaphore_mem>>) src(%dma_wait3A_74 : memref<80x64xf32, #tpu.memory_space<vmem>>) dst(%dma_wait3A_80 : memref<10000x64xf32, #tpu.memory_space<vmem_shared>>)
        tpu.yield
      }) : () -> ()
    }
    %scan3A_14 = arith.constant 25 : i32
    %barrier3A_15 = arith.constant 0 : index
    tpu.barrier barrier_id(%barrier3A_15)
    %mul3A_16 = arith.constant 625 : i32
    %mul3A_17 = arith.muli %arg1, %mul3A_16 : i32
    %mul3A_18 = arith.constant 625 : i32
    %mul3A_19 = arith.muli %arg1, %mul3A_18 : i32
    "tpu.region"() ({
      %run_scoped3A = tpu.sem_alloc : memref<!tpu.dma_semaphore, #tpu.memory_space<semaphore_mem>>
      %dma_start3A = tpu.memref_slice %arg4[%mul3A_19, %mul3A_0] : memref<10000x128xf32, #tpu.memory_space<hbm>> -> memref<625x64xf32, #tpu.memory_space<hbm>>
      %dma_start3A_20 = arith.constant 0 : i32
      %dma_start3A_21 = tpu.memref_slice %arg7[%mul3A_17, %dma_start3A_20] : memref<10000x64xf32, #tpu.memory_space<vmem_shared>> -> memref<625x64xf32, #tpu.memory_space<vmem_shared>>
      tpu.enqueue_dma source(%dma_start3A_21 : memref<625x64xf32, #tpu.memory_space<vmem_shared>>) target(%dma_start3A : memref<625x64xf32, #tpu.memory_space<hbm>>) target_semaphore(%run_scoped3A : memref<!tpu.dma_semaphore, #tpu.memory_space<semaphore_mem>>)
      %dma_wait3A = tpu.memref_slice %arg4[%mul3A_19, %mul3A_0] : memref<10000x128xf32, #tpu.memory_space<hbm>> -> memref<625x64xf32, #tpu.memory_space<hbm>>
      %dma_wait3A_22 = arith.constant 0 : i32
      %dma_wait3A_23 = tpu.memref_slice %arg7[%mul3A_17, %dma_wait3A_22] : memref<10000x64xf32, #tpu.memory_space<vmem_shared>> -> memref<625x64xf32, #tpu.memory_space<vmem_shared>>
      tpu.wait_dma2 semaphore(%run_scoped3A : memref<!tpu.dma_semaphore, #tpu.memory_space<semaphore_mem>>) src(%dma_wait3A_23 : memref<625x64xf32, #tpu.memory_space<vmem_shared>>) dst(%dma_wait3A : memref<625x64xf32, #tpu.memory_space<hbm>>)
      tpu.yield
    }) : () -> ()
    return
  }
}

</mosaic_0001>

<sc_bundles>
// kernel: kernel.3.cloned.1.call-start
scs
__scs_entry_jumppad:
0x0: {  	(pc) =	sbr.rel $0x88, $3  }
0x1: {  	(tag) =	ssettag $0x0;
	lr =	simm.s32 $0x1  }
0x2: {  	[smem:$0x3F9F] =	sst lr;
	_ =	strace $0xD0000000  }
0x3: {  	_ = 	snop  }
0x4: {  	_ = 	snop  }
0x5: {  	_ = 	snop  }
0x6: {  	_ = 	snop  }
0x7: {  	_ = 	snop  }
__scs_overlays_trampoline_lowered:
0x8: {  	[smem:$0x3FAE] =	sst s0  }
0x9: {  	[smem:$0x3FAF] =	sst s1  }
0xa: {  	[smem:$0x3FB0] =	sst s2  }
0xb: {  	[smem:$0x3FB1] =	sst s3  }
0xc: {  	[smem:$0x3FB2] =	sst s4  }
0xd: {  	[smem:$0x3FB3] =	sst s5  }
0xe: {  	[smem:$0x3FB4] =	sst s6  }
0xf: {  	[smem:$0x3FB5] =	sst s7  }
0x10: {  	[smem:$0x3FB6] =	sst s8  }
0x11: {  	[smem:$0x3FB7] =	sst s9;
	s0 =	simm.s32 @!p0 $0x0  }
0x12: {  	s1 =	sld [smem:$0x3F9D];
	s0 =	simm.s32 @p0 $0x1  }
0x13: {  	[smem:$0x3FB8] =	sst s0;
	s0 =	simm.s32 @!p1 $0x0  }
0x14: {  	s2 =	sld [smem:$0x3F9C];
	s0 =	simm.s32 @p1 $0x1  }
0x15: {  	[smem:$0x3FB9] =	sst s0;
	s0 =	simm.s32 @!p2 $0x0  }
0x16: {  	s3 =	sld [smem:$0x3FDB];
	s0 =	simm.s32 @p2 $0x1  }
0x17: {  	s4 =	simm.s32 $0x1BF5;
	[smem:$0x3FBB] =	sst s0  }
0x18: {  	s0 =	sld [smem:$0x3F9E];
	_ =	swait.ge [sflag:s4], $0x0  }
0x19: {  	s7 =	sld [smem:$0x3F9F]  }
0x1a: {  	s8 =	sadd.s32 $0xFFFFE003, lr  }
0x1b: {  	s9 =	sadd.s32 $0xFFFFFEF7, lr;
	s5 =	simm.s32 $0xFFFFFFFF;
	p2 =	slt.u32 s8, $0xFFFFF086  }
0x1c: {  	p1 =	slt.u32 s9, $0xF7A;
	s5 =	simm.s32 @!p2 $0x0  }
0x1d: {  	s5 =	simm.s32 @p1 $0x1;
	p0 =	seq.s32 s7, s2  }
0x1e: {  	s7 =	smul.u32 @!p0 $0xF7A, s2;
	p2 =	seq.s32 @!p0 s5, $0x0  }
0x1f: {  	s9 =	smul.u32 $0xF7A, s1;
	s8 =	simm.s32 @!p0 $0x1BF5;
	p2 =	por !p2, p0  }
0x20: {  	[sflag:s8] =	ssyncset.s32 @!p0 $0xFFFFF086;
	s6 =	sadd.s32 @!p0 s3, s7;
	s7 =	simm.s32 @!p0 $0x108  }
0x21: {  	s3 =	sadd.s32 s3, s9;
	s6 =	sadd.s32 @!p0 $0x88, s6;
	s7 =	simm.s32 @p2 $0x1082  }
0x22: {  	[simem:s7], [sflag:s8] =	dma.local @!p0 [hbm:s6], $0xF7A  }
0x23: {  	s9 =	sor.u32 $0xD0000000, s2;
	s6 =	simm.s32 $0x108;
	_ =	swait.ge @!p0 [sflag:s8], $0x0  }
0x24: {  	s3 =	sadd.s32 $0x88, s3;
	s6 =	simm.s32 @!p1 $0x1082;
	[sflag:s4] =	ssyncset.s32 $0xFFFFF086  }
0x25: {  	[simem:s6], [sflag:s4] =	dma.local [hbm:s3], $0xF7A  }
0x26: {  	[smem:$0x3F9F] =	sst s1;
	(tag) =	ssettag s2;
	_ =	strace s9  }
0x27: {  	s1 =	sld [smem:$0x3FAF]  }
0x28: {  	s2 =	sld [smem:$0x3FB0]  }
0x29: {  	s4 =	sld [smem:$0x3FB2]  }
0x2a: {  	p0 =	seq.s32 s5, $0x0;
	s5 =	sld [smem:$0x3FB3]  }
0x2b: {  	s6 =	sld [smem:$0x3FB4]  }
0x2c: {  	s7 =	sld [smem:$0x3FB5]  }
0x2d: {  	s3 =	simm.s32 $0x108;
	s8 =	sld [smem:$0x3FB6]  }
0x2e: {  	s3 =	simm.s32 @!p0 $0x1082;
	s9 =	sld [smem:$0x3FB7]  }
0x2f: {  	lr =	sadd.s32 s0, s3;
	s0 =	sld [smem:$0x3FAE]  }
0x30: {  	s3 =	sld [smem:$0x3FB1]  }
0x31: {  	[smem:$0x3FBA] =	sst s10  }
0x32: {  	s10 =	sld [smem:$0x3FB8];
	_ =	sdelay $0x3  }
0x33: {  	p0 =	seq.s32 s10, $0x1;
	s10 =	sld [smem:$0x3FBA];
	_ =	sdelay $0x3  }
0x34: {  	[smem:$0x3FBA] =	sst s10  }
0x35: {  	s10 =	sld [smem:$0x3FB9];
	_ =	sdelay $0x3  }
0x36: {  	p1 =	seq.s32 s10, $0x1;
	s10 =	sld [smem:$0x3FBA];
	_ =	sdelay $0x3  }
0x37: {  	[smem:$0x3FBA] =	sst s10  }
0x38: {  	s10 =	sld [smem:$0x3FBB]  }
0x39: {  	_ = 	snop;
	(pc) =	sbr.ind lr, $3  }
0x3a: {  	_ = 	snop  }
0x3b: {  	_ = 	snop  }
0x3c: {  	p2 =	seq.s32 s10, $0x1;
	s10 =	sld [smem:$0x3FBA]  }
0x3d: {  	_ =	shalt  }
0x3e: {  	_ =	shalt  }
0x3f: {  	_ =	shalt  }
0x40: {  	_ =	shalt  }
0x41: {  	_ =	shalt  }
0x42: {  	_ =	shalt  }
0x43: {  	_ =	shalt  }
0x44: {  	_ =	shalt  }
0x45: {  	_ =	shalt  }
0x46: {  	_ =	shalt  }
0x47: {  	_ =	shalt  }
0x48: {  	_ =	shalt  }
0x49: {  	_ =	shalt  }
0x4a: {  	_ =	shalt  }
0x4b: {  	_ =	shalt  }
0x4c: {  	_ =	shalt  }
0x4d: {  	_ =	shalt  }
0x4e: {  	_ =	shalt  }
0x4f: {  	_ =	shalt  }
0x50: {  	_ =	shalt  }
0x51: {  	_ =	shalt  }
0x52: {  	_ =	shalt  }
0x53: {  	_ =	shalt  }
0x54: {  	_ =	shalt  }
0x55: {  	_ =	shalt  }
0x56: {  	_ =	shalt  }
0x57: {  	_ =	shalt  }
0x58: {  	_ =	shalt  }
0x59: {  	_ =	shalt  }
0x5a: {  	_ =	shalt  }
0x5b: {  	_ =	shalt  }
0x5c: {  	_ =	shalt  }
0x5d: {  	_ =	shalt  }
0x5e: {  	_ =	shalt  }
0x5f: {  	_ =	shalt  }
0x60: {  	_ =	shalt  }
0x61: {  	_ =	shalt  }
0x62: {  	_ =	shalt  }
0x63: {  	_ =	shalt  }
0x64: {  	_ =	shalt  }
0x65: {  	_ =	shalt  }
0x66: {  	_ =	shalt  }
0x67: {  	_ =	shalt  }
0x68: {  	_ =	shalt  }
0x69: {  	_ =	shalt  }
0x6a: {  	_ =	shalt  }
0x6b: {  	_ =	shalt  }
0x6c: {  	_ =	shalt  }
0x6d: {  	_ =	shalt  }
0x6e: {  	_ =	shalt  }
0x6f: {  	_ =	shalt  }
0x70: {  	_ =	shalt  }
0x71: {  	_ =	shalt  }
0x72: {  	_ =	shalt  }
0x73: {  	_ =	shalt  }
0x74: {  	_ =	shalt  }
0x75: {  	_ =	shalt  }
0x76: {  	_ =	shalt  }
0x77: {  	_ =	shalt  }
0x78: {  	_ =	shalt  }
0x79: {  	_ =	shalt  }
0x7a: {  	_ =	shalt  }
0x7b: {  	_ =	shalt  }
0x7c: {  	_ =	shalt  }
0x7d: {  	_ =	shalt  }
0x7e: {  	_ =	shalt  }
0x7f: {  	_ =	shalt  }
0x80: {  	_ =	shalt  }
0x81: {  	_ =	shalt  }
0x82: {  	_ =	shalt  }
0x83: {  	_ =	shalt  }
0x84: {  	_ =	shalt  }
0x85: {  	_ =	shalt  }
0x86: {  	_ =	shalt  }
0x87: {  	_ =	shalt  }
.Lfunc_end0:
.L_simem_size_0:
called_computation_lowered:
.L_overlay_start_0:
0x88: {  	s2 =	sld [smem:$0x3FD9]  }
0x89: {  	s3 =	sld [smem:$0x3FFE];
	_ =	sdelay $0x1  }
0x8a: {  	s1 =	srdreg.scid  }
0x8b: {  	s0 =	sand.u32 $0x1, s1  }
0x8c: {  	s17 =	sshll.u32 s0, $0xA;
	s2 =	sadd.s32 s3, s2  }
0x8d: {  	s2 =	sadd.s32 s2, s17  }
0x8e: {  	[smem:$0x3FC6] =	sst s2  }
0x8f: {  	_ = 	snop  }
0x90: {  	s2 =	sld [smem:$0x3FC9]  }
0x91: {  	s18 =	sld [smem:$0x3FD0];
	(tm) =	ssettm $0x1  }
0x92: {  	s4 =	sld [smem:$0x3FFB];
	_ =	sdelay $0x3  }
0x93: {  	_ =	strace s4  }
0x94: {  	s4 =	sld [smem:$0x3FFC];
	_ =	sdelay $0x3  }
0x95: {  	_ =	strace s4  }
0x96: {  	s4 =	sld [smem:$0x3FFD];
	_ =	sdelay $0x3  }
0x97: {  	_ =	strace s4  }
0x98: {  	_ =	strace $0x8FFFFFFF  }
0x99: {  	s19 =	sld [smem:$0x3FDB];
	_ =	sdelay $0x1  }
0x9a: {  	s5 =	simm.s32 $_scs_section_size  }
0x9b: {  	s6 =	simm.s32 $_size__tile_overlayer_lowered;
	s7 =	simm.s32 $_tile_overlayer_lowered  }
0x9c: {  	s22 =	simm.s32 $0x1BFF;
	s21 =	sshll.u32 s7, $0x1;
	s4 =	sadd.s32 s5, s19  }
0x9d: {  	s8 =	simm.s32 $0x0;
	s20 =	sshll.u32 s6, $0x1;
	s6 =	sadd.s32 s21, s4  }
0x9e: {  	[timem:s8], [sflag:s22] =	dma.local [hbm:s6], s20  }
0x9f: {  	_ =	swait.ge [sflag:s22], s20  }
0xa0: {  	s5 =	ssub.s32 $0x0, s20;
	[sflag:s22] =	ssyncset.done $0x0  }
0xa1: {  	[sflag:s22] =	ssyncadd.s32 s5;
	_ =	sdelay $0x1  }
0xa2: {  	s23 =	simm.s32 $0x1B8B  }
0xa3: {  	_ =	swait.ge [sflag:s23], $0x1  }
0xa4: {  	[sflag:s23] =	ssyncset.done $0x0  }
0xa5: {  	s25 =	simm.s32 $0x1B8E;
	s24 =	sld [smem:$0x3FFE];
	[sflag:s23] =	ssyncadd.s32 $0xFFFFFFFF  }
0xa6: {  	s26 =	simm.s32 $execute0_lowered;
	[smem:$0x3FD2] =	sst s25  }
0xa7: {  	s6 =	sshll.u32 s26, $0x1;
	_ =	strace $0x80000046;
	[dreg:$0x1] =	wrdreg $0xFFFFFFFF  }
0xa8: {  	s28 =	simm.s32 $_size_execute0_lowered;
	s4 =	sadd.s32 s4, s6;
	[dreg:$0x0] =	wrdreg $0x0  }
0xa9: {  	s6 =	sshll.u32 s28, $0x1;
	[dreg:$0x2] =	wrdreg s4  }
0xaa: {  	[dreg:$0x3] =	wrdreg s6  }
0xab: {  	[dreg:$0x4] =	wrdreg $0xC0  }
0xac: {  	_ =	task [dreg:s8], $0x5FFFF  }
0xad: {  	[dreg:$0x1] =	wrdreg $0xFFFFFFFF  }
0xae: {  	[dreg:$0x0] =	wrdreg $0x60  }
0xaf: {  	[dreg:$0x2] =	wrdreg s2  }
0xb0: {  	[dreg:$0x3] =	wrdreg s24  }
0xb1: {  	[dreg:$0x4] =	wrdreg s18  }
0xb2: {  	[dreg:$0x5] =	wrdreg $0x116200  }
0xb3: {  	[dreg:$0x6] =	wrdreg $0x9  }
0xb4: {  	_ =	task.clear_ibuf [dreg:s8], $0x7FFFF;
	_ =	strace $0x90000046  }
0xb5: {  	s29 =	simm.s32 $0x9;
	_ =	strace $0x80000048  }
0xb6: {  	_ =	swait.ge [sflag:s29], $0x1  }
0xb7: {  	[sflag:s29] =	ssyncadd.s32 $0xFFFFFFFF  }
0xb8: {  	_ =	strace $0x90000048  }
0xb9: {  	_ =	sfence  }
0xba: {  	s30 =	sld [smem:$0x0];
	_ =	sdelay $0x2  }
0xbb: {  	s31 =	sshll.u32 s1, $0xD;
	s1 =	sshrl.u32 s1, $0x2  }
0xbc: {  	s3 =	sand.u32 $0x4000, s31;
	s1 =	sadd.s32 s1, s30  }
0xbd: {  	s0 =	sor.u32 s3, s0;
	s1 =	sshll.u32 s1, $0x11  }
0xbe: {  	s0 =	sor.u32 s1, s0  }
0xbf: {  	s0 =	sadd.s32 $0x8F2B, s0  }
0xc0: {  	[sflag:s0] =	ssyncadd.remote.s32 $0x1  }
0xc1: {  	_ =	sfence.sel $0xFFFF  }
0xc2: {  	[dreg:$0x0] =	wrdreg $0xFFFFFFFF;
	(pc) =	sbr.abs _section_cstart, $3  }
0xc3: {  	[dreg:$0x1] =	wrdreg $0xFFFFFFFF  }
0xc4: {  	_ =	task.clear_ibuf [dreg:s8], $0x2FFFF;
	_ =	strace $0x9FFFFFFF  }
0xc5: {  	(tm) =	ssettm $0x7FFFFFFF  }
tec
execute0_lowered:
.L_overlay_start_1:
0x0: {  	(tag) =	ssettag $0x1  }
0x1: {  	s8 =	rddreg [dreg:$0x0]  }
0x2: {  	s5 =	rddreg [dreg:$0x1]  }
0x3: {  	s6 =	rddreg [dreg:$0x2]  }
0x4: {  	s2 =	rddreg [dreg:$0x3]  }
0x5: {  	s0 =	rddreg [dreg:$0x4]  }
0x6: {  	s4 =	srdreg.scid;
	s1 =	stileid.u32  }
0x7: {  	s3 =	simm.s32 $0x0;
	s14 =	simm.s32 $0x6220;
	s15 =	simm.s32 $0x7620  }
0x8: {  	s16 =	simm.s32 $0x8A20;
	s17 =	simm.s32 $0x9E20;
	s18 =	simm.s32 $0xB220  }
0x9: {  	s19 =	simm.s32 $0xC620;
	s20 =	simm.s32 $0xDA20;
	s7 =	smul.u32 $0x27100, s1  }
0xa: {  	s21 =	simm.s32 $0xEE20;
	s22 =	simm.s32 $0x10220;
	s10 =	smul.u32 $0x4E20, s1  }
0xb: {  	s23 =	simm.s32 $0x10;
	s24 =	simm.s32 $0x8;
	s12 =	smul.u32 $0x13880, s1  }
0xc: {  	s4 =	sand.u32 $0x1, s4;
	[smem:$0x7FF] =	sst s3;
	s29 =	smul.u32 $0x271000, s1  }
0xd: {  	s9 =	ssub.s32 $0x2, s4;
	_ =	strace $0x80000047;
	s13 =	sshll.u32 s4, $0x6  }
0xe: {  	s11 =	sshrl.u32 s9, $0x1;
	s28 =	sshrl.u32 s7, $0x2;
	s30 =	sor.u32 s13, s12  }
0xf: {  	s10 =	sshrl.u32 s10, $0x3;
	s7 =	sor.u32 s13, s29;
	s12 =	simm.s32 $0x80  }
0x10: {  	s13 =	simm.s32 $0x50;
	s9 =	ssub.s32 s9, s11;
	s4 =	sadd.s32 s28, s2  }
0x11: {  	s11 =	sshrl.u32 s30, $0x3;
	s5 =	sadd.s32 s5, s10;
	s31 =	sshrl.u32 s7, $0x3  }
0x12: {  	s10 =	simm.s32 $0x1;
	s6 =	sadd.s32 s6, s11;
	s7 =	smax.u32 s9, $0x1  }
0x13: {  	v0 =	vimm.f32 $0.0e+00;
	s8 =	sadd.s32 s31, s8;
	s9 =	simm.s32 $0x4E20;
	s11 =	simm.s32 $0x40  }
.LBB2_1:
0x14: {  	s26 =	simm.s32 $0x100;
	s25 =	simm.s32 $0x0  }
.LBB2_2:
0x15: {  	p0 =	sne.s32 s26, $0x27000;
	[tilespmem:s25+$0x4E50] =	vst v0;
	s28 =	smov.u32 s26;
	s26 =	sadd.s32 $0x100, s26  }
.Ltmp0:
0x16: {  	[tilespmem:s25+$0x4E40] =	vst v0;
	(pc) =	sbr.rel @p0 .LBB2_2-.Ltmp0, $3  }
0x17: {  	[tilespmem:s25+$0x4E20] =	vst v0  }
0x18: {  	[tilespmem:s25+$0x4E30] =	vst v0;
	_ =	sdelay $0x1  }
0x19: {  	s25 =	sshra.s32 s28, $0x2  }
0x1a: {  	[tilespmem:s25+$0x4E50] =	vst v0  }
0x1b: {  	[tilespmem:s25+$0x4E40] =	vst v0  }
0x1c: {  	[tilespmem:s25+$0x4E20] =	vst v0  }
0x1d: {  	[tilespmem:s25+$0x4E30] =	vst v0  }
0x1e: {  	[spmem:s4] =	stream.linear.scatter [tilespmem:s9], [sflag:$0x1], $0x9C40, $0x38;
	[tilespmem:$0x1B260] =	vst v63  }
0x1f: {  	_ =	swait.ge [sflag:s10], $0x9C40  }
0x20: {  	[sflag:s10] =	ssyncset.done $0x0  }
0x21: {  	[sflag:s10] =	ssyncadd.s32 $0xFFFF63C0  }
0x22: {  	s31 =	simm.s32 $0x0;
	[bflag:$0x0] =	sbarrier.arrive $0xFFFF  }
0x23: {  	[tilespmem:s31], [sflag:$0x1] =	stream.linear.gather [hbm4b:s5+s31], $0x4E20, $0x38;
	[tilespmem:$0x1B260] =	vst v63  }
0x24: {  	_ =	swait.ge [sflag:s10], $0x4E20  }
0x25: {  	[sflag:s10] =	ssyncset.done $0x0  }
0x26: {  	[sflag:s10] =	ssyncadd.s32 $0xFFFFB1E0  }
0x27: {  	[tilespmem:s9], [sflag:$0x1] =	stream.strided.gather [hbm4b:s8+s11], $0xC800, s12, s11, $0x38;
	[tilespmem:$0x1B260] =	vst v63  }
0x28: {  	_ =	swait.ge [sflag:s10], $0xC800  }
0x29: {  	[sflag:s10] =	ssyncset.done $0x0  }
0x2a: {  	s26 =	simm.s32 $0x0;
	[sflag:s10] =	ssyncadd.s32 $0xFFFF3800  }
0x2b: {  	[spmem:s2] =	stream.indirect.scatter.add.f32 [tilespmem:s9], [sflag:$0x1], $0x40, s26, s13, $0xb8;
	[tilespmem:$0x1B260] =	vst v63  }
0x2c: {  	_ =	swait.ge [sflag:s10], $0x1400  }
0x2d: {  	[sflag:s10] =	ssyncset.done $0x0  }
0x2e: {  	s28 =	simm.s32 $0x50;
	[sflag:s10] =	ssyncadd.s32 $0xFFFFEC00  }
0x2f: {  	[spmem:s2] =	stream.indirect.scatter.add.f32 [tilespmem:s14], [sflag:$0x1], $0x40, s28, s13, $0xb8;
	[tilespmem:$0x1B260] =	vst v63  }
0x30: {  	_ =	swait.ge [sflag:s10], $0x1400  }
0x31: {  	[sflag:s10] =	ssyncset.done $0x0  }
0x32: {  	s29 =	simm.s32 $0xA0;
	[sflag:s10] =	ssyncadd.s32 $0xFFFFEC00  }
0x33: {  	[spmem:s2] =	stream.indirect.scatter.add.f32 [tilespmem:s15], [sflag:$0x1], $0x40, s29, s13, $0xb8;
	[tilespmem:$0x1B260] =	vst v63  }
0x34: {  	_ =	swait.ge [sflag:s10], $0x1400  }
0x35: {  	[sflag:s10] =	ssyncset.done $0x0  }
0x36: {  	s30 =	simm.s32 $0xF0;
	[sflag:s10] =	ssyncadd.s32 $0xFFFFEC00  }
0x37: {  	[spmem:s2] =	stream.indirect.scatter.add.f32 [tilespmem:s16], [sflag:$0x1], $0x40, s30, s13, $0xb8;
	[tilespmem:$0x1B260] =	vst v63  }
0x38: {  	_ =	swait.ge [sflag:s10], $0x1400  }
0x39: {  	[sflag:s10] =	ssyncset.done $0x0  }
0x3a: {  	s31 =	simm.s32 $0x140;
	[sflag:s10] =	ssyncadd.s32 $0xFFFFEC00  }
0x3b: {  	[spmem:s2] =	stream.indirect.scatter.add.f32 [tilespmem:s17], [sflag:$0x1], $0x40, s31, s13, $0xb8;
	[tilespmem:$0x1B260] =	vst v63  }
0x3c: {  	_ =	swait.ge [sflag:s10], $0x1400  }
0x3d: {  	[sflag:s10] =	ssyncset.done $0x0  }
0x3e: {  	s26 =	simm.s32 $0x190;
	[sflag:s10] =	ssyncadd.s32 $0xFFFFEC00  }
0x3f: {  	[spmem:s2] =	stream.indirect.scatter.add.f32 [tilespmem:s18], [sflag:$0x1], $0x40, s26, s13, $0xb8;
	[tilespmem:$0x1B260] =	vst v63  }
0x40: {  	_ =	swait.ge [sflag:s10], $0x1400  }
0x41: {  	[sflag:s10] =	ssyncset.done $0x0  }
0x42: {  	s28 =	simm.s32 $0x1E0;
	[sflag:s10] =	ssyncadd.s32 $0xFFFFEC00  }
0x43: {  	[spmem:s2] =	stream.indirect.scatter.add.f32 [tilespmem:s19], [sflag:$0x1], $0x40, s28, s13, $0xb8;
	[tilespmem:$0x1B260] =	vst v63  }
0x44: {  	_ =	swait.ge [sflag:s10], $0x1400  }
0x45: {  	[sflag:s10] =	ssyncset.done $0x0  }
0x46: {  	s29 =	simm.s32 $0x230;
	[sflag:s10] =	ssyncadd.s32 $0xFFFFEC00  }
0x47: {  	[spmem:s2] =	stream.indirect.scatter.add.f32 [tilespmem:s20], [sflag:$0x1], $0x40, s29, s13, $0xb8;
	[tilespmem:$0x1B260] =	vst v63  }
0x48: {  	_ =	swait.ge [sflag:s10], $0x1400  }
0x49: {  	[sflag:s10] =	ssyncset.done $0x0  }
0x4a: {  	s30 =	simm.s32 $0x280;
	[sflag:s10] =	ssyncadd.s32 $0xFFFFEC00  }
0x4b: {  	[spmem:s2] =	stream.indirect.scatter.add.f32 [tilespmem:s21], [sflag:$0x1], $0x40, s30, s13, $0xb8;
	[tilespmem:$0x1B260] =	vst v63  }
0x4c: {  	_ =	swait.ge [sflag:s10], $0x1400  }
0x4d: {  	[sflag:s10] =	ssyncset.done $0x0  }
0x4e: {  	s31 =	simm.s32 $0x2D0;
	[sflag:s10] =	ssyncadd.s32 $0xFFFFEC00  }
0x4f: {  	[spmem:s2] =	stream.indirect.scatter.add.f32 [tilespmem:s22], [sflag:$0x1], $0x40, s31, s13, $0xb8;
	[tilespmem:$0x1B260] =	vst v63  }
0x50: {  	_ =	swait.ge [sflag:s10], $0x1400  }
0x51: {  	s25 =	simm.s32 $0xC80;
	s26 =	smov.u32 s8;
	[sflag:s10] =	ssyncset.done $0x0  }
.LBB2_4:
0x52: {  	p0 =	sne.s32 s25, $0x12C00;
	[sflag:s10] =	ssyncadd.s32 $0xFFFFEC00;
	s26 =	sadd.s32 $0x3200, s26  }
0x53: {  	[tilespmem:s9], [sflag:$0x1] =	stream.strided.gather [hbm4b:s26+s11], $0xC800, s12, s11, $0x38;
	[tilespmem:$0x1B260] =	vst v63  }
0x54: {  	s28 =	smov.u32 s25;
	s25 =	sadd.s32 $0xC80, s25;
	_ =	swait.ge [sflag:s10], $0xC800  }
0x55: {  	[sflag:s10] =	ssyncset.done $0x0  }
0x56: {  	s28 =	sshra.s32 s28, $0x2;
	[sflag:s10] =	ssyncadd.s32 $0xFFFF3800  }
0x57: {  	[spmem:s2] =	stream.indirect.scatter.add.f32 [tilespmem:s9], [sflag:$0x1], $0x40, s28, s13, $0xb8;
	[tilespmem:$0x1B260] =	vst v63  }
0x58: {  	_ =	swait.ge [sflag:s10], $0x1400  }
0x59: {  	[sflag:s10] =	ssyncset.done $0x0  }
0x5a: {  	s29 =	sadd.s32 $0x50, s28;
	[sflag:s10] =	ssyncadd.s32 $0xFFFFEC00  }
0x5b: {  	[spmem:s2] =	stream.indirect.scatter.add.f32 [tilespmem:s14], [sflag:$0x1], $0x40, s29, s13, $0xb8;
	[tilespmem:$0x1B260] =	vst v63  }
0x5c: {  	_ =	swait.ge [sflag:s10], $0x1400  }
0x5d: {  	[sflag:s10] =	ssyncset.done $0x0  }
0x5e: {  	s29 =	sadd.s32 $0xA0, s28;
	[sflag:s10] =	ssyncadd.s32 $0xFFFFEC00  }
0x5f: {  	[spmem:s2] =	stream.indirect.scatter.add.f32 [tilespmem:s15], [sflag:$0x1], $0x40, s29, s13, $0xb8;
	[tilespmem:$0x1B260] =	vst v63  }
0x60: {  	_ =	swait.ge [sflag:s10], $0x1400  }
0x61: {  	[sflag:s10] =	ssyncset.done $0x0  }
0x62: {  	s29 =	sadd.s32 $0xF0, s28;
	[sflag:s10] =	ssyncadd.s32 $0xFFFFEC00  }
0x63: {  	[spmem:s2] =	stream.indirect.scatter.add.f32 [tilespmem:s16], [sflag:$0x1], $0x40, s29, s13, $0xb8;
	[tilespmem:$0x1B260] =	vst v63  }
0x64: {  	_ =	swait.ge [sflag:s10], $0x1400  }
0x65: {  	[sflag:s10] =	ssyncset.done $0x0  }
0x66: {  	s29 =	sadd.s32 $0x140, s28;
	[sflag:s10] =	ssyncadd.s32 $0xFFFFEC00  }
0x67: {  	[spmem:s2] =	stream.indirect.scatter.add.f32 [tilespmem:s17], [sflag:$0x1], $0x40, s29, s13, $0xb8;
	[tilespmem:$0x1B260] =	vst v63  }
0x68: {  	_ =	swait.ge [sflag:s10], $0x1400  }
0x69: {  	[sflag:s10] =	ssyncset.done $0x0  }
0x6a: {  	s29 =	sadd.s32 $0x190, s28;
	[sflag:s10] =	ssyncadd.s32 $0xFFFFEC00  }
0x6b: {  	[spmem:s2] =	stream.indirect.scatter.add.f32 [tilespmem:s18], [sflag:$0x1], $0x40, s29, s13, $0xb8;
	[tilespmem:$0x1B260] =	vst v63  }
0x6c: {  	_ =	swait.ge [sflag:s10], $0x1400  }
0x6d: {  	[sflag:s10] =	ssyncset.done $0x0  }
0x6e: {  	s29 =	sadd.s32 $0x1E0, s28;
	[sflag:s10] =	ssyncadd.s32 $0xFFFFEC00  }
0x6f: {  	[spmem:s2] =	stream.indirect.scatter.add.f32 [tilespmem:s19], [sflag:$0x1], $0x40, s29, s13, $0xb8;
	[tilespmem:$0x1B260] =	vst v63  }
0x70: {  	_ =	swait.ge [sflag:s10], $0x1400  }
0x71: {  	[sflag:s10] =	ssyncset.done $0x0  }
0x72: {  	s29 =	sadd.s32 $0x230, s28;
	[sflag:s10] =	ssyncadd.s32 $0xFFFFEC00  }
0x73: {  	[spmem:s2] =	stream.indirect.scatter.add.f32 [tilespmem:s20], [sflag:$0x1], $0x40, s29, s13, $0xb8;
	[tilespmem:$0x1B260] =	vst v63  }
0x74: {  	_ =	swait.ge [sflag:s10], $0x1400  }
0x75: {  	[sflag:s10] =	ssyncset.done $0x0  }
0x76: {  	s29 =	sadd.s32 $0x280, s28;
	[sflag:s10] =	ssyncadd.s32 $0xFFFFEC00  }
0x77: {  	[spmem:s2] =	stream.indirect.scatter.add.f32 [tilespmem:s21], [sflag:$0x1], $0x40, s29, s13, $0xb8;
	[tilespmem:$0x1B260] =	vst v63  }
0x78: {  	_ =	swait.ge [sflag:s10], $0x1400  }
.Ltmp1:
0x79: {  	[sflag:s10] =	ssyncset.done $0x0;
	(pc) =	sbr.rel @p0 .LBB2_4-.Ltmp1, $4  }
0x7a: {  	s28 =	sadd.s32 $0x2D0, s28;
	[sflag:s10] =	ssyncadd.s32 $0xFFFFEC00  }
0x7b: {  	[spmem:s2] =	stream.indirect.scatter.add.f32 [tilespmem:s22], [sflag:$0x1], $0x40, s28, s13, $0xb8;
	[tilespmem:$0x1B260] =	vst v63  }
0x7c: {  	_ =	swait.ge [sflag:s10], $0x1400  }
0x7d: {  	[sflag:s10] =	ssyncset.done $0x0  }
0x7e: {  	[sflag:s10] =	ssyncadd.s32 $0xFFFFEC00;
	s3 =	sadd.s32 $0x1, s3  }
0x7f: {  	s25 =	sshll.u32 s1, $0x6;
	s26 =	sshrl.u32 s4, $0x3;
	p0 =	sne.s32 s3, s7  }
.Ltmp2:
0x80: {  	[bflag:$0x0] =	sbarrier.arrive $0xFFFF;
	s25 =	sor.u32 $0x1C01, s25;
	(pc) =	sbr.rel @p0 .LBB2_1-.Ltmp2, $4  }
0x81: {  	[hbm:s6@s23], [sflag:s25] =	dma.strided [spmem:s26@s24], $0x1388, s10, $0x8   }
0x82: {  	_ =	swait.ge [sflag:s10], $0x1388  }
0x83: {  	[sflag:s10] =	ssyncset.done $0x0  }
0x84: {  	[sflag:s10] =	ssyncadd.s32 $0xFFFFEC78  }
0x85: {  	_ =	sfence.sel $0x180000  }
0x86: {  	[bflag:$0x0] =	sbarrier.arrive $0xFFFF  }
0x87: {  	p0 =	sne.s32 s1, $0x0;
	_ =	strace $0x90000047  }
0x88: {  	s0 =	sadd.s32 @!p0 $0x100000, s0;
	[bflag:$0x2] =	sbarrier.arrive $0xFFFF  }
0x89: {  	[sflag:s0] =	ssyncadd.tile.s32 @!p0 $0x1;
	_ =	shalt  }
.Lfunc_end2:
_tile_overlayer_lowered:
.L_overlay_start_2:
0x8a: {  	(tag) =	ssettag $0x2  }
0x8b: {  	s0 =	rddreg [dreg:$0x0];
	s2 =	stileid.u32  }
0x8c: {  	s1 =	rddreg [dreg:$0x1];
	p0 =	sne.s32 s2, $0x0  }
0x8d: {  	s3 =	rddreg [dreg:$0x2];
	[bflag:$0x3] =	sbarrier.arrive $0xFFFF;
	s2 =	simm.s32 @!p0 $0x1C01  }
0x8e: {  	[timem:s3], [sflag:s2] =	dma.local @!p0 [hbm:s0], s1  }
0x8f: {  	s0 =	simm.s32 @!p0 $0x1  }
0x90: {  	_ =	swait.ge @!p0 [sflag:s0], s1  }
0x91: {  	s1 =	ssub.s32 @!p0 $0x0, s1;
	[sflag:s0] =	ssyncset.done @!p0 $0x0  }
0x92: {  	[sflag:s0] =	ssyncadd.s32 @!p0 s1  }
0x93: {  	[bflag:$0x3] =	sbarrier.arrive $0xFFFF  }
0x94: {  	_ =	shalt  }

</sc_bundles>
